<compile_context>
chip_gen: v7x
topology: tpu7x:2x2x1
jax: 0.10.2.dev20260603
libtpu: 0.0.44.dev20260713+nightly
codegen_flags: <defaults>
</compile_context>

<pallas_src>
import functools

import jax
import jax.numpy as jnp
from jax import lax
from jax.experimental import pallas as pl
from jax.experimental.pallas import tpu as pltpu
from jax.experimental.pallas import tpu_sc as plsc

B = 4096 * 200
V = 100
D = 100
DP = 104
NW = 32
B_PER_W = B // NW
CHUNK = 128
N_STEPS = B_PER_W // CHUNK
N_PAIRS = N_STEPS // 2


def _sc_gather(x_flat, w_pad):
    mesh = plsc.VectorSubcoreMesh(core_axis_name="c", subcore_axis_name="s")

    @functools.partial(
        pl.kernel,
        mesh=mesh,
        out_type=jax.ShapeDtypeStruct((B, DP), jnp.float32),
        scratch_types=[
            pltpu.VMEM((CHUNK,), jnp.int32),
            pltpu.VMEM_SHARED((V, DP), jnp.float32),
            pltpu.VMEM((CHUNK, DP), jnp.float32),
            pltpu.VMEM((CHUNK, DP), jnp.float32),
            pltpu.SemaphoreType.DMA,
            pltpu.SemaphoreType.DMA,
            pltpu.SemaphoreType.DMA,
        ],
        compiler_params=pltpu.CompilerParams(use_tc_tiling_on_sc=False),
    )
    def k(x_hbm, w_hbm, out_hbm, idx_v, w_sp, rows0, rows1, s_g, s_o0, s_o1):
        rows = (rows0, rows1)
        s_o = (s_o0, s_o1)
        sid = lax.axis_index("s")
        wid = sid * 2 + lax.axis_index("c")
        base = wid * B_PER_W

        @pl.when(sid == 0)
        def _():
            pltpu.sync_copy(w_hbm, w_sp)
        plsc.subcore_barrier()

        def drain_write(g, p):
            pltpu.make_async_copy(
                rows[p], out_hbm.at[pl.ds(base + g * CHUNK, CHUNK)], s_o[p]
            ).wait()

        def step(g, p, do_drain):
            off = base + g * CHUNK
            pltpu.sync_copy(x_hbm.at[pl.ds(off, CHUNK)], idx_v)
            if do_drain:
                drain_write(g - 2, p)
            pltpu.async_copy(w_sp.at[idx_v], rows[p], s_g).wait()
            pltpu.async_copy(rows[p], out_hbm.at[pl.ds(off, CHUNK)], s_o[p])

        step(0, 0, False)
        step(1, 1, False)

        def pair(q, carry):
            step(q * 2, 0, True)
            step(q * 2 + 1, 1, True)
            return carry

        lax.fori_loop(1, N_PAIRS, pair, 0)

        drain_write(N_STEPS - 2, 0)
        drain_write(N_STEPS - 1, 1)

    return k(x_flat, w_pad)


def kernel(x, W):
    w_pad = jnp.pad(W, ((0, 0), (0, DP - D)))
    out = _sc_gather(x.reshape(B), w_pad)
    return out[:, :D].reshape(4096, 200, D)

# --- scband reference (transcript-rebuilt; emitter-appended) ---
"""Pipeline reference for scband-model-11879879541212 (READ-ONLY COPY).

The authoritative reference and input builder live on the scoring server;
editing this copy changes nothing except your own understanding.
"""

import jax, jax.numpy as jnp
import numpy as np


def setup_inputs(seed: int = 0) -> dict:
    key = jax.random.key(seed)
    k1, k2 = jax.random.split(key)
    x = jax.random.randint(k1, (4096, 200), 0, 100, dtype=jnp.int32)
    # Embedding table sized per the module's hardcoded nn.Embedding(100, 100)
    W = jax.random.normal(k2, (100, 100), dtype=jnp.float32)
    return {"x": x, "W": W}


def reference(x, W):
    # nn.Embedding forward: gather rows of the table by index
    return jnp.take(W, x, axis=0)

if __name__ == "__main__":
    import jax
    _d = setup_inputs()
    print(jax.jit(kernel)(*tuple(_d.values())))

</pallas_src>

<mosaic_0001>
#map = affine_map<(d0, d1) -> (0)>
#map1 = affine_map<(d0, d1) -> (0, 0)>
module attributes {stable_mosaic.version = 14 : i64} {
  func.func @k(%arg0: i32, %arg1: i32, %arg2: memref<819200xi32, #tpu.memory_space<hbm>>, %arg3: memref<100x104xf32, #tpu.memory_space<hbm>>, %arg4: memref<819200x104xf32, #tpu.memory_space<hbm>>, %arg5: memref<128xi32, #tpu.memory_space<vmem>>, %arg6: memref<100x104xf32, #tpu.memory_space<vmem_shared>>, %arg7: memref<128x104xf32, #tpu.memory_space<vmem>>, %arg8: memref<128x104xf32, #tpu.memory_space<vmem>>, %arg9: memref<!tpu.dma_semaphore, #tpu.memory_space<semaphore_mem>>, %arg10: memref<!tpu.dma_semaphore, #tpu.memory_space<semaphore_mem>>, %arg11: memref<!tpu.dma_semaphore, #tpu.memory_space<semaphore_mem>>) attributes {dimension_semantics = [#tpu.dimension_semantics<core_parallel>, #tpu.dimension_semantics<subcore_parallel>], iteration_bounds = array<i64: 2, 16>, scalar_prefetch = 0 : i64, scratch_operands = 7 : i64, tpu.core_type = #tpu.core_type<sc_vector_subcore>, window_params = [{transform_indices = #map}, {transform_indices = #map1}, {transform_indices = #map1}]} {
    %mul3A = arith.constant 2 : i32
    %mul3A_0 = arith.muli %arg1, %mul3A : i32
    %add3A = arith.addi %mul3A_0, %arg0 : i32
    %mul3A_1 = arith.constant 25600 : i32
    %mul3A_2 = arith.muli %add3A, %mul3A_1 : i32
    %eq3A = arith.constant 0 : i32
    %eq3A_3 = arith.cmpi eq, %arg1, %eq3A : i32
    %convert_element_type3A = arith.extui %eq3A_3 : i1 to i32
    %cond3A = arith.constant 0 : i32
    %cond3A_4 = arith.cmpi ne, %convert_element_type3A, %cond3A : i32
    scf.if %cond3A_4 {
      "tpu.region"() ({
        %run_scoped3A = tpu.sem_alloc : memref<!tpu.dma_semaphore, #tpu.memory_space<semaphore_mem>>
        tpu.enqueue_dma source(%arg3 : memref<100x104xf32, #tpu.memory_space<hbm>>) target(%arg6 : memref<100x104xf32, #tpu.memory_space<vmem_shared>>) target_semaphore(%run_scoped3A : memref<!tpu.dma_semaphore, #tpu.memory_space<semaphore_mem>>)
        tpu.wait_dma2 semaphore(%run_scoped3A : memref<!tpu.dma_semaphore, #tpu.memory_space<semaphore_mem>>) src(%arg3 : memref<100x104xf32, #tpu.memory_space<hbm>>) dst(%arg6 : memref<100x104xf32, #tpu.memory_space<vmem_shared>>)
        tpu.yield
      }) : () -> ()
    } else {
    }
    %barrier3A = arith.constant 0 : index
    tpu.barrier barrier_id(%barrier3A)
    %add3A_5 = arith.constant 0 : i32
    %add3A_6 = arith.addi %mul3A_2, %add3A_5 : i32
    "tpu.region"() ({
      %run_scoped3A = tpu.sem_alloc : memref<!tpu.dma_semaphore, #tpu.memory_space<semaphore_mem>>
      %dma_start3A_44 = tpu.memref_slice %arg2[%add3A_6] : memref<819200xi32, #tpu.memory_space<hbm>> -> memref<128xi32, #tpu.memory_space<hbm>>
      %dma_start3A_45 = tpu.memref_slice %arg2[%add3A_6] : memref<819200xi32, #tpu.memory_space<hbm>> -> memref<128xi32, #tpu.memory_space<hbm>>
      tpu.enqueue_dma source(%dma_start3A_45 : memref<128xi32, #tpu.memory_space<hbm>>) target(%arg5 : memref<128xi32, #tpu.memory_space<vmem>>) target_semaphore(%run_scoped3A : memref<!tpu.dma_semaphore, #tpu.memory_space<semaphore_mem>>)
      %dma_wait3A_46 = tpu.memref_slice %arg2[%add3A_6] : memref<819200xi32, #tpu.memory_space<hbm>> -> memref<128xi32, #tpu.memory_space<hbm>>
      %dma_wait3A_47 = tpu.memref_slice %arg2[%add3A_6] : memref<819200xi32, #tpu.memory_space<hbm>> -> memref<128xi32, #tpu.memory_space<hbm>>
      tpu.wait_dma2 semaphore(%run_scoped3A : memref<!tpu.dma_semaphore, #tpu.memory_space<semaphore_mem>>) src(%dma_wait3A_47 : memref<128xi32, #tpu.memory_space<hbm>>) dst(%arg5 : memref<128xi32, #tpu.memory_space<vmem>>)
      tpu.yield
    }) : () -> ()
    %dma_start3A = arith.constant 0 : i32
    %dma_start3A_7 = arith.constant 0 : i32
    %dma_start3A_8 = tpu.memref_slice %arg6[%dma_start3A, %dma_start3A_7] : memref<100x104xf32, #tpu.memory_space<vmem_shared>> -> memref<100x104xf32, #tpu.memory_space<vmem_shared>>
    tpu.enqueue_indirect_dma source(%dma_start3A_8 : memref<100x104xf32, #tpu.memory_space<vmem_shared>>) target(%arg7 : memref<128x104xf32, #tpu.memory_space<vmem>>) offsets(%arg5 : memref<128xi32, #tpu.memory_space<vmem>>) semaphore(%arg9 : memref<!tpu.dma_semaphore, #tpu.memory_space<semaphore_mem>>)
    %dma_wait3A = arith.constant 0 : i32
    %dma_wait3A_9 = arith.constant 0 : i32
    %dma_wait3A_10 = tpu.memref_slice %arg6[%dma_wait3A, %dma_wait3A_9] : memref<100x104xf32, #tpu.memory_space<vmem_shared>> -> memref<100x104xf32, #tpu.memory_space<vmem_shared>>
    tpu.wait_indirect_dma semaphore(%arg9 : memref<!tpu.dma_semaphore, #tpu.memory_space<semaphore_mem>>) src(%dma_wait3A_10 : memref<100x104xf32, #tpu.memory_space<vmem_shared>>) dst(%arg7 : memref<128x104xf32, #tpu.memory_space<vmem>>)
    %dma_start3A_11 = arith.constant 0 : i32
    %dma_start3A_12 = tpu.memref_slice %arg4[%add3A_6, %dma_start3A_11] : memref<819200x104xf32, #tpu.memory_space<hbm>> -> memref<128x104xf32, #tpu.memory_space<hbm>>
    %dma_start3A_13 = arith.constant 0 : i32
    %dma_start3A_14 = tpu.memref_slice %arg4[%add3A_6, %dma_start3A_13] : memref<819200x104xf32, #tpu.memory_space<hbm>> -> memref<128x104xf32, #tpu.memory_space<hbm>>
    tpu.enqueue_dma source(%arg7 : memref<128x104xf32, #tpu.memory_space<vmem>>) target(%dma_start3A_14 : memref<128x104xf32, #tpu.memory_space<hbm>>) target_semaphore(%arg10 : memref<!tpu.dma_semaphore, #tpu.memory_space<semaphore_mem>>)
    %add3A_15 = arith.constant 128 : i32
    %add3A_16 = arith.addi %mul3A_2, %add3A_15 : i32
    "tpu.region"() ({
      %run_scoped3A = tpu.sem_alloc : memref<!tpu.dma_semaphore, #tpu.memory_space<semaphore_mem>>
      %dma_start3A_44 = tpu.memref_slice %arg2[%add3A_16] : memref<819200xi32, #tpu.memory_space<hbm>> -> memref<128xi32, #tpu.memory_space<hbm>>
      %dma_start3A_45 = tpu.memref_slice %arg2[%add3A_16] : memref<819200xi32, #tpu.memory_space<hbm>> -> memref<128xi32, #tpu.memory_space<hbm>>
      tpu.enqueue_dma source(%dma_start3A_45 : memref<128xi32, #tpu.memory_space<hbm>>) target(%arg5 : memref<128xi32, #tpu.memory_space<vmem>>) target_semaphore(%run_scoped3A : memref<!tpu.dma_semaphore, #tpu.memory_space<semaphore_mem>>)
      %dma_wait3A_46 = tpu.memref_slice %arg2[%add3A_16] : memref<819200xi32, #tpu.memory_space<hbm>> -> memref<128xi32, #tpu.memory_space<hbm>>
      %dma_wait3A_47 = tpu.memref_slice %arg2[%add3A_16] : memref<819200xi32, #tpu.memory_space<hbm>> -> memref<128xi32, #tpu.memory_space<hbm>>
      tpu.wait_dma2 semaphore(%run_scoped3A : memref<!tpu.dma_semaphore, #tpu.memory_space<semaphore_mem>>) src(%dma_wait3A_47 : memref<128xi32, #tpu.memory_space<hbm>>) dst(%arg5 : memref<128xi32, #tpu.memory_space<vmem>>)
      tpu.yield
    }) : () -> ()
    %dma_start3A_17 = arith.constant 0 : i32
    %dma_start3A_18 = arith.constant 0 : i32
    %dma_start3A_19 = tpu.memref_slice %arg6[%dma_start3A_17, %dma_start3A_18] : memref<100x104xf32, #tpu.memory_space<vmem_shared>> -> memref<100x104xf32, #tpu.memory_space<vmem_shared>>
    tpu.enqueue_indirect_dma source(%dma_start3A_19 : memref<100x104xf32, #tpu.memory_space<vmem_shared>>) target(%arg8 : memref<128x104xf32, #tpu.memory_space<vmem>>) offsets(%arg5 : memref<128xi32, #tpu.memory_space<vmem>>) semaphore(%arg9 : memref<!tpu.dma_semaphore, #tpu.memory_space<semaphore_mem>>)
    %dma_wait3A_20 = arith.constant 0 : i32
    %dma_wait3A_21 = arith.constant 0 : i32
    %dma_wait3A_22 = tpu.memref_slice %arg6[%dma_wait3A_20, %dma_wait3A_21] : memref<100x104xf32, #tpu.memory_space<vmem_shared>> -> memref<100x104xf32, #tpu.memory_space<vmem_shared>>
    tpu.wait_indirect_dma semaphore(%arg9 : memref<!tpu.dma_semaphore, #tpu.memory_space<semaphore_mem>>) src(%dma_wait3A_22 : memref<100x104xf32, #tpu.memory_space<vmem_shared>>) dst(%arg8 : memref<128x104xf32, #tpu.memory_space<vmem>>)
    %dma_start3A_23 = arith.constant 0 : i32
    %dma_start3A_24 = tpu.memref_slice %arg4[%add3A_16, %dma_start3A_23] : memref<819200x104xf32, #tpu.memory_space<hbm>> -> memref<128x104xf32, #tpu.memory_space<hbm>>
    %dma_start3A_25 = arith.constant 0 : i32
    %dma_start3A_26 = tpu.memref_slice %arg4[%add3A_16, %dma_start3A_25] : memref<819200x104xf32, #tpu.memory_space<hbm>> -> memref<128x104xf32, #tpu.memory_space<hbm>>
    tpu.enqueue_dma source(%arg8 : memref<128x104xf32, #tpu.memory_space<vmem>>) target(%dma_start3A_26 : memref<128x104xf32, #tpu.memory_space<hbm>>) target_semaphore(%arg11 : memref<!tpu.dma_semaphore, #tpu.memory_space<semaphore_mem>>)
    %scan3A = arith.constant 0 : i32
    %scan3A_27 = arith.constant 1 : i32
    %scan3A_28 = arith.constant 99 : i32
    %scan3A_29 = arith.addi %scan3A_27, %scan3A_28 : i32
    %scan3A_30 = arith.constant 1 : i32
    scf.for %scan3A_44 = %scan3A_27 to %scan3A_29 step %scan3A_30  : i32 {
      %mul3A_45 = arith.constant 2 : i32
      %mul3A_46 = arith.muli %scan3A_44, %mul3A_45 : i32
      %mul3A_47 = arith.constant 128 : i32
      %mul3A_48 = arith.muli %mul3A_46, %mul3A_47 : i32
      %add3A_49 = arith.addi %mul3A_2, %mul3A_48 : i32
      "tpu.region"() ({
        %run_scoped3A = tpu.sem_alloc : memref<!tpu.dma_semaphore, #tpu.memory_space<semaphore_mem>>
        %dma_start3A_94 = tpu.memref_slice %arg2[%add3A_49] : memref<819200xi32, #tpu.memory_space<hbm>> -> memref<128xi32, #tpu.memory_space<hbm>>
        %dma_start3A_95 = tpu.memref_slice %arg2[%add3A_49] : memref<819200xi32, #tpu.memory_space<hbm>> -> memref<128xi32, #tpu.memory_space<hbm>>
        tpu.enqueue_dma source(%dma_start3A_95 : memref<128xi32, #tpu.memory_space<hbm>>) target(%arg5 : memref<128xi32, #tpu.memory_space<vmem>>) target_semaphore(%run_scoped3A : memref<!tpu.dma_semaphore, #tpu.memory_space<semaphore_mem>>)
        %dma_wait3A_96 = tpu.memref_slice %arg2[%add3A_49] : memref<819200xi32, #tpu.memory_space<hbm>> -> memref<128xi32, #tpu.memory_space<hbm>>
        %dma_wait3A_97 = tpu.memref_slice %arg2[%add3A_49] : memref<819200xi32, #tpu.memory_space<hbm>> -> memref<128xi32, #tpu.memory_space<hbm>>
        tpu.wait_dma2 semaphore(%run_scoped3A : memref<!tpu.dma_semaphore, #tpu.memory_space<semaphore_mem>>) src(%dma_wait3A_97 : memref<128xi32, #tpu.memory_space<hbm>>) dst(%arg5 : memref<128xi32, #tpu.memory_space<vmem>>)
        tpu.yield
      }) : () -> ()
      %sub3A = arith.constant 2 : i32
      %sub3A_50 = arith.subi %mul3A_46, %sub3A : i32
      %mul3A_51 = arith.constant 128 : i32
      %mul3A_52 = arith.muli %sub3A_50, %mul3A_51 : i32
      %add3A_53 = arith.addi %mul3A_2, %mul3A_52 : i32
      %dma_wait3A_54 = arith.constant 0 : i32
      %dma_wait3A_55 = tpu.memref_slice %arg4[%add3A_53, %dma_wait3A_54] : memref<819200x104xf32, #tpu.memory_space<hbm>> -> memref<128x104xf32, #tpu.memory_space<hbm>>
      %dma_wait3A_56 = arith.constant 0 : i32
      %dma_wait3A_57 = tpu.memref_slice %arg4[%add3A_53, %dma_wait3A_56] : memref<819200x104xf32, #tpu.memory_space<hbm>> -> memref<128x104xf32, #tpu.memory_space<hbm>>
      tpu.wait_dma2 semaphore(%arg10 : memref<!tpu.dma_semaphore, #tpu.memory_space<semaphore_mem>>) src(%arg7 : memref<128x104xf32, #tpu.memory_space<vmem>>) dst(%dma_wait3A_57 : memref<128x104xf32, #tpu.memory_space<hbm>>)
      %dma_start3A_58 = arith.constant 0 : i32
      %dma_start3A_59 = arith.constant 0 : i32
      %dma_start3A_60 = tpu.memref_slice %arg6[%dma_start3A_58, %dma_start3A_59] : memref<100x104xf32, #tpu.memory_space<vmem_shared>> -> memref<100x104xf32, #tpu.memory_space<vmem_shared>>
      tpu.enqueue_indirect_dma source(%dma_start3A_60 : memref<100x104xf32, #tpu.memory_space<vmem_shared>>) target(%arg7 : memref<128x104xf32, #tpu.memory_space<vmem>>) offsets(%arg5 : memref<128xi32, #tpu.memory_space<vmem>>) semaphore(%arg9 : memref<!tpu.dma_semaphore, #tpu.memory_space<semaphore_mem>>)
      %dma_wait3A_61 = arith.constant 0 : i32
      %dma_wait3A_62 = arith.constant 0 : i32
      %dma_wait3A_63 = tpu.memref_slice %arg6[%dma_wait3A_61, %dma_wait3A_62] : memref<100x104xf32, #tpu.memory_space<vmem_shared>> -> memref<100x104xf32, #tpu.memory_space<vmem_shared>>
      tpu.wait_indirect_dma semaphore(%arg9 : memref<!tpu.dma_semaphore, #tpu.memory_space<semaphore_mem>>) src(%dma_wait3A_63 : memref<100x104xf32, #tpu.memory_space<vmem_shared>>) dst(%arg7 : memref<128x104xf32, #tpu.memory_space<vmem>>)
      %dma_start3A_64 = arith.constant 0 : i32
      %dma_start3A_65 = tpu.memref_slice %arg4[%add3A_49, %dma_start3A_64] : memref<819200x104xf32, #tpu.memory_space<hbm>> -> memref<128x104xf32, #tpu.memory_space<hbm>>
      %dma_start3A_66 = arith.constant 0 : i32
      %dma_start3A_67 = tpu.memref_slice %arg4[%add3A_49, %dma_start3A_66] : memref<819200x104xf32, #tpu.memory_space<hbm>> -> memref<128x104xf32, #tpu.memory_space<hbm>>
      tpu.enqueue_dma source(%arg7 : memref<128x104xf32, #tpu.memory_space<vmem>>) target(%dma_start3A_67 : memref<128x104xf32, #tpu.memory_space<hbm>>) target_semaphore(%arg10 : memref<!tpu.dma_semaphore, #tpu.memory_space<semaphore_mem>>)
      %mul3A_68 = arith.constant 2 : i32
      %mul3A_69 = arith.muli %scan3A_44, %mul3A_68 : i32
      %add3A_70 = arith.constant 1 : i32
      %add3A_71 = arith.addi %mul3A_69, %add3A_70 : i32
      %mul3A_72 = arith.constant 128 : i32
      %mul3A_73 = arith.muli %add3A_71, %mul3A_72 : i32
      %add3A_74 = arith.addi %mul3A_2, %mul3A_73 : i32
      "tpu.region"() ({
        %run_scoped3A = tpu.sem_alloc : memref<!tpu.dma_semaphore, #tpu.memory_space<semaphore_mem>>
        %dma_start3A_94 = tpu.memref_slice %arg2[%add3A_74] : memref<819200xi32, #tpu.memory_space<hbm>> -> memref<128xi32, #tpu.memory_space<hbm>>
        %dma_start3A_95 = tpu.memref_slice %arg2[%add3A_74] : memref<819200xi32, #tpu.memory_space<hbm>> -> memref<128xi32, #tpu.memory_space<hbm>>
        tpu.enqueue_dma source(%dma_start3A_95 : memref<128xi32, #tpu.memory_space<hbm>>) target(%arg5 : memref<128xi32, #tpu.memory_space<vmem>>) target_semaphore(%run_scoped3A : memref<!tpu.dma_semaphore, #tpu.memory_space<semaphore_mem>>)
        %dma_wait3A_96 = tpu.memref_slice %arg2[%add3A_74] : memref<819200xi32, #tpu.memory_space<hbm>> -> memref<128xi32, #tpu.memory_space<hbm>>
        %dma_wait3A_97 = tpu.memref_slice %arg2[%add3A_74] : memref<819200xi32, #tpu.memory_space<hbm>> -> memref<128xi32, #tpu.memory_space<hbm>>
        tpu.wait_dma2 semaphore(%run_scoped3A : memref<!tpu.dma_semaphore, #tpu.memory_space<semaphore_mem>>) src(%dma_wait3A_97 : memref<128xi32, #tpu.memory_space<hbm>>) dst(%arg5 : memref<128xi32, #tpu.memory_space<vmem>>)
        tpu.yield
      }) : () -> ()
      %sub3A_75 = arith.constant 2 : i32
      %sub3A_76 = arith.subi %add3A_71, %sub3A_75 : i32
      %mul3A_77 = arith.constant 128 : i32
      %mul3A_78 = arith.muli %sub3A_76, %mul3A_77 : i32
      %add3A_79 = arith.addi %mul3A_2, %mul3A_78 : i32
      %dma_wait3A_80 = arith.constant 0 : i32
      %dma_wait3A_81 = tpu.memref_slice %arg4[%add3A_79, %dma_wait3A_80] : memref<819200x104xf32, #tpu.memory_space<hbm>> -> memref<128x104xf32, #tpu.memory_space<hbm>>
      %dma_wait3A_82 = arith.constant 0 : i32
      %dma_wait3A_83 = tpu.memref_slice %arg4[%add3A_79, %dma_wait3A_82] : memref<819200x104xf32, #tpu.memory_space<hbm>> -> memref<128x104xf32, #tpu.memory_space<hbm>>
      tpu.wait_dma2 semaphore(%arg11 : memref<!tpu.dma_semaphore, #tpu.memory_space<semaphore_mem>>) src(%arg8 : memref<128x104xf32, #tpu.memory_space<vmem>>) dst(%dma_wait3A_83 : memref<128x104xf32, #tpu.memory_space<hbm>>)
      %dma_start3A_84 = arith.constant 0 : i32
      %dma_start3A_85 = arith.constant 0 : i32
      %dma_start3A_86 = tpu.memref_slice %arg6[%dma_start3A_84, %dma_start3A_85] : memref<100x104xf32, #tpu.memory_space<vmem_shared>> -> memref<100x104xf32, #tpu.memory_space<vmem_shared>>
      tpu.enqueue_indirect_dma source(%dma_start3A_86 : memref<100x104xf32, #tpu.memory_space<vmem_shared>>) target(%arg8 : memref<128x104xf32, #tpu.memory_space<vmem>>) offsets(%arg5 : memref<128xi32, #tpu.memory_space<vmem>>) semaphore(%arg9 : memref<!tpu.dma_semaphore, #tpu.memory_space<semaphore_mem>>)
      %dma_wait3A_87 = arith.constant 0 : i32
      %dma_wait3A_88 = arith.constant 0 : i32
      %dma_wait3A_89 = tpu.memref_slice %arg6[%dma_wait3A_87, %dma_wait3A_88] : memref<100x104xf32, #tpu.memory_space<vmem_shared>> -> memref<100x104xf32, #tpu.memory_space<vmem_shared>>
      tpu.wait_indirect_dma semaphore(%arg9 : memref<!tpu.dma_semaphore, #tpu.memory_space<semaphore_mem>>) src(%dma_wait3A_89 : memref<100x104xf32, #tpu.memory_space<vmem_shared>>) dst(%arg8 : memref<128x104xf32, #tpu.memory_space<vmem>>)
      %dma_start3A_90 = arith.constant 0 : i32
      %dma_start3A_91 = tpu.memref_slice %arg4[%add3A_74, %dma_start3A_90] : memref<819200x104xf32, #tpu.memory_space<hbm>> -> memref<128x104xf32, #tpu.memory_space<hbm>>
      %dma_start3A_92 = arith.constant 0 : i32
      %dma_start3A_93 = tpu.memref_slice %arg4[%add3A_74, %dma_start3A_92] : memref<819200x104xf32, #tpu.memory_space<hbm>> -> memref<128x104xf32, #tpu.memory_space<hbm>>
      tpu.enqueue_dma source(%arg8 : memref<128x104xf32, #tpu.memory_space<vmem>>) target(%dma_start3A_93 : memref<128x104xf32, #tpu.memory_space<hbm>>) target_semaphore(%arg11 : memref<!tpu.dma_semaphore, #tpu.memory_space<semaphore_mem>>)
    }
    %scan3A_31 = arith.constant 99 : i32
    %add3A_32 = arith.constant 25344 : i32
    %add3A_33 = arith.addi %mul3A_2, %add3A_32 : i32
    %dma_wait3A_34 = arith.constant 0 : i32
    %dma_wait3A_35 = tpu.memref_slice %arg4[%add3A_33, %dma_wait3A_34] : memref<819200x104xf32, #tpu.memory_space<hbm>> -> memref<128x104xf32, #tpu.memory_space<hbm>>
    %dma_wait3A_36 = arith.constant 0 : i32
    %dma_wait3A_37 = tpu.memref_slice %arg4[%add3A_33, %dma_wait3A_36] : memref<819200x104xf32, #tpu.memory_space<hbm>> -> memref<128x104xf32, #tpu.memory_space<hbm>>
    tpu.wait_dma2 semaphore(%arg10 : memref<!tpu.dma_semaphore, #tpu.memory_space<semaphore_mem>>) src(%arg7 : memref<128x104xf32, #tpu.memory_space<vmem>>) dst(%dma_wait3A_37 : memref<128x104xf32, #tpu.memory_space<hbm>>)
    %add3A_38 = arith.constant 25472 : i32
    %add3A_39 = arith.addi %mul3A_2, %add3A_38 : i32
    %dma_wait3A_40 = arith.constant 0 : i32
    %dma_wait3A_41 = tpu.memref_slice %arg4[%add3A_39, %dma_wait3A_40] : memref<819200x104xf32, #tpu.memory_space<hbm>> -> memref<128x104xf32, #tpu.memory_space<hbm>>
    %dma_wait3A_42 = arith.constant 0 : i32
    %dma_wait3A_43 = tpu.memref_slice %arg4[%add3A_39, %dma_wait3A_42] : memref<819200x104xf32, #tpu.memory_space<hbm>> -> memref<128x104xf32, #tpu.memory_space<hbm>>
    tpu.wait_dma2 semaphore(%arg11 : memref<!tpu.dma_semaphore, #tpu.memory_space<semaphore_mem>>) src(%arg8 : memref<128x104xf32, #tpu.memory_space<vmem>>) dst(%dma_wait3A_43 : memref<128x104xf32, #tpu.memory_space<hbm>>)
    return
  }
}

</mosaic_0001>

<sc_bundles>
// kernel: kernel.3.cloned.1.call-start
scs
__scs_entry_jumppad:
0x0: {  	(pc) =	sbr.rel $0x88, $3  }
0x1: {  	(tag) =	ssettag $0x0;
	lr =	simm.s32 $0x1  }
0x2: {  	[smem:$0x3F9F] =	sst lr;
	_ =	strace $0xD0000000  }
0x3: {  	_ = 	snop  }
0x4: {  	_ = 	snop  }
0x5: {  	_ = 	snop  }
0x6: {  	_ = 	snop  }
0x7: {  	_ = 	snop  }
__scs_overlays_trampoline_lowered:
0x8: {  	[smem:$0x3FAE] =	sst s0  }
0x9: {  	[smem:$0x3FAF] =	sst s1  }
0xa: {  	[smem:$0x3FB0] =	sst s2  }
0xb: {  	[smem:$0x3FB1] =	sst s3  }
0xc: {  	[smem:$0x3FB2] =	sst s4  }
0xd: {  	[smem:$0x3FB3] =	sst s5  }
0xe: {  	[smem:$0x3FB4] =	sst s6  }
0xf: {  	[smem:$0x3FB5] =	sst s7  }
0x10: {  	[smem:$0x3FB6] =	sst s8  }
0x11: {  	[smem:$0x3FB7] =	sst s9;
	s0 =	simm.s32 @!p0 $0x0  }
0x12: {  	s1 =	sld [smem:$0x3F9D];
	s0 =	simm.s32 @p0 $0x1  }
0x13: {  	[smem:$0x3FB8] =	sst s0;
	s0 =	simm.s32 @!p1 $0x0  }
0x14: {  	s2 =	sld [smem:$0x3F9C];
	s0 =	simm.s32 @p1 $0x1  }
0x15: {  	[smem:$0x3FB9] =	sst s0;
	s0 =	simm.s32 @!p2 $0x0  }
0x16: {  	s3 =	sld [smem:$0x3FDB];
	s0 =	simm.s32 @p2 $0x1  }
0x17: {  	s4 =	simm.s32 $0x1BF5;
	[smem:$0x3FBB] =	sst s0  }
0x18: {  	s0 =	sld [smem:$0x3F9E];
	_ =	swait.ge [sflag:s4], $0x0  }
0x19: {  	s7 =	sld [smem:$0x3F9F]  }
0x1a: {  	s8 =	sadd.s32 $0xFFFFE003, lr  }
0x1b: {  	s9 =	sadd.s32 $0xFFFFFEF7, lr;
	s5 =	simm.s32 $0xFFFFFFFF;
	p2 =	slt.u32 s8, $0xFFFFF086  }
0x1c: {  	p1 =	slt.u32 s9, $0xF7A;
	s5 =	simm.s32 @!p2 $0x0  }
0x1d: {  	s5 =	simm.s32 @p1 $0x1;
	p0 =	seq.s32 s7, s2  }
0x1e: {  	s7 =	smul.u32 @!p0 $0xF7A, s2;
	p2 =	seq.s32 @!p0 s5, $0x0  }
0x1f: {  	s9 =	smul.u32 $0xF7A, s1;
	s8 =	simm.s32 @!p0 $0x1BF5;
	p2 =	por !p2, p0  }
0x20: {  	[sflag:s8] =	ssyncset.s32 @!p0 $0xFFFFF086;
	s6 =	sadd.s32 @!p0 s3, s7;
	s7 =	simm.s32 @!p0 $0x108  }
0x21: {  	s3 =	sadd.s32 s3, s9;
	s6 =	sadd.s32 @!p0 $0x88, s6;
	s7 =	simm.s32 @p2 $0x1082  }
0x22: {  	[simem:s7], [sflag:s8] =	dma.local @!p0 [hbm:s6], $0xF7A  }
0x23: {  	s9 =	sor.u32 $0xD0000000, s2;
	s6 =	simm.s32 $0x108;
	_ =	swait.ge @!p0 [sflag:s8], $0x0  }
0x24: {  	s3 =	sadd.s32 $0x88, s3;
	s6 =	simm.s32 @!p1 $0x1082;
	[sflag:s4] =	ssyncset.s32 $0xFFFFF086  }
0x25: {  	[simem:s6], [sflag:s4] =	dma.local [hbm:s3], $0xF7A  }
0x26: {  	[smem:$0x3F9F] =	sst s1;
	(tag) =	ssettag s2;
	_ =	strace s9  }
0x27: {  	s1 =	sld [smem:$0x3FAF]  }
0x28: {  	s2 =	sld [smem:$0x3FB0]  }
0x29: {  	s4 =	sld [smem:$0x3FB2]  }
0x2a: {  	p0 =	seq.s32 s5, $0x0;
	s5 =	sld [smem:$0x3FB3]  }
0x2b: {  	s6 =	sld [smem:$0x3FB4]  }
0x2c: {  	s7 =	sld [smem:$0x3FB5]  }
0x2d: {  	s3 =	simm.s32 $0x108;
	s8 =	sld [smem:$0x3FB6]  }
0x2e: {  	s3 =	simm.s32 @!p0 $0x1082;
	s9 =	sld [smem:$0x3FB7]  }
0x2f: {  	lr =	sadd.s32 s0, s3;
	s0 =	sld [smem:$0x3FAE]  }
0x30: {  	s3 =	sld [smem:$0x3FB1]  }
0x31: {  	[smem:$0x3FBA] =	sst s10  }
0x32: {  	s10 =	sld [smem:$0x3FB8];
	_ =	sdelay $0x3  }
0x33: {  	p0 =	seq.s32 s10, $0x1;
	s10 =	sld [smem:$0x3FBA];
	_ =	sdelay $0x3  }
0x34: {  	[smem:$0x3FBA] =	sst s10  }
0x35: {  	s10 =	sld [smem:$0x3FB9];
	_ =	sdelay $0x3  }
0x36: {  	p1 =	seq.s32 s10, $0x1;
	s10 =	sld [smem:$0x3FBA];
	_ =	sdelay $0x3  }
0x37: {  	[smem:$0x3FBA] =	sst s10  }
0x38: {  	s10 =	sld [smem:$0x3FBB]  }
0x39: {  	_ = 	snop;
	(pc) =	sbr.ind lr, $3  }
0x3a: {  	_ = 	snop  }
0x3b: {  	_ = 	snop  }
0x3c: {  	p2 =	seq.s32 s10, $0x1;
	s10 =	sld [smem:$0x3FBA]  }
0x3d: {  	_ =	shalt  }
0x3e: {  	_ =	shalt  }
0x3f: {  	_ =	shalt  }
0x40: {  	_ =	shalt  }
0x41: {  	_ =	shalt  }
0x42: {  	_ =	shalt  }
0x43: {  	_ =	shalt  }
0x44: {  	_ =	shalt  }
0x45: {  	_ =	shalt  }
0x46: {  	_ =	shalt  }
0x47: {  	_ =	shalt  }
0x48: {  	_ =	shalt  }
0x49: {  	_ =	shalt  }
0x4a: {  	_ =	shalt  }
0x4b: {  	_ =	shalt  }
0x4c: {  	_ =	shalt  }
0x4d: {  	_ =	shalt  }
0x4e: {  	_ =	shalt  }
0x4f: {  	_ =	shalt  }
0x50: {  	_ =	shalt  }
0x51: {  	_ =	shalt  }
0x52: {  	_ =	shalt  }
0x53: {  	_ =	shalt  }
0x54: {  	_ =	shalt  }
0x55: {  	_ =	shalt  }
0x56: {  	_ =	shalt  }
0x57: {  	_ =	shalt  }
0x58: {  	_ =	shalt  }
0x59: {  	_ =	shalt  }
0x5a: {  	_ =	shalt  }
0x5b: {  	_ =	shalt  }
0x5c: {  	_ =	shalt  }
0x5d: {  	_ =	shalt  }
0x5e: {  	_ =	shalt  }
0x5f: {  	_ =	shalt  }
0x60: {  	_ =	shalt  }
0x61: {  	_ =	shalt  }
0x62: {  	_ =	shalt  }
0x63: {  	_ =	shalt  }
0x64: {  	_ =	shalt  }
0x65: {  	_ =	shalt  }
0x66: {  	_ =	shalt  }
0x67: {  	_ =	shalt  }
0x68: {  	_ =	shalt  }
0x69: {  	_ =	shalt  }
0x6a: {  	_ =	shalt  }
0x6b: {  	_ =	shalt  }
0x6c: {  	_ =	shalt  }
0x6d: {  	_ =	shalt  }
0x6e: {  	_ =	shalt  }
0x6f: {  	_ =	shalt  }
0x70: {  	_ =	shalt  }
0x71: {  	_ =	shalt  }
0x72: {  	_ =	shalt  }
0x73: {  	_ =	shalt  }
0x74: {  	_ =	shalt  }
0x75: {  	_ =	shalt  }
0x76: {  	_ =	shalt  }
0x77: {  	_ =	shalt  }
0x78: {  	_ =	shalt  }
0x79: {  	_ =	shalt  }
0x7a: {  	_ =	shalt  }
0x7b: {  	_ =	shalt  }
0x7c: {  	_ =	shalt  }
0x7d: {  	_ =	shalt  }
0x7e: {  	_ =	shalt  }
0x7f: {  	_ =	shalt  }
0x80: {  	_ =	shalt  }
0x81: {  	_ =	shalt  }
0x82: {  	_ =	shalt  }
0x83: {  	_ =	shalt  }
0x84: {  	_ =	shalt  }
0x85: {  	_ =	shalt  }
0x86: {  	_ =	shalt  }
0x87: {  	_ =	shalt  }
.Lfunc_end0:
.L_simem_size_0:
called_computation.1_lowered:
.L_overlay_start_0:
0x88: {  	s2 =	sld [smem:$0x3FD9]  }
0x89: {  	s3 =	sld [smem:$0x3FFE];
	_ =	sdelay $0x1  }
0x8a: {  	s1 =	srdreg.scid  }
0x8b: {  	s0 =	sand.u32 $0x1, s1  }
0x8c: {  	s17 =	sshll.u32 s0, $0xA;
	s2 =	sadd.s32 s3, s2  }
0x8d: {  	s2 =	sadd.s32 s2, s17  }
0x8e: {  	[smem:$0x3FC6] =	sst s2  }
0x8f: {  	_ = 	snop  }
0x90: {  	s2 =	sld [smem:$0x3FD0];
	(tm) =	ssettm $0x1  }
0x91: {  	s18 =	sld [smem:$0x3FFB];
	_ =	sdelay $0x3  }
0x92: {  	_ =	strace s18  }
0x93: {  	s3 =	sld [smem:$0x3FFC];
	_ =	sdelay $0x3  }
0x94: {  	_ =	strace s3  }
0x95: {  	s3 =	sld [smem:$0x3FFD];
	_ =	sdelay $0x3  }
0x96: {  	_ =	strace s3  }
0x97: {  	_ =	strace $0x8FFFFFFF  }
0x98: {  	s19 =	sld [smem:$0x3FDB];
	_ =	sdelay $0x1  }
0x99: {  	s4 =	simm.s32 $_scs_section_size  }
0x9a: {  	s5 =	simm.s32 $_size__tile_overlayer_lowered;
	s6 =	simm.s32 $_tile_overlayer_lowered  }
0x9b: {  	s22 =	simm.s32 $0x1BFF;
	s21 =	sshll.u32 s6, $0x1;
	s3 =	sadd.s32 s4, s19  }
0x9c: {  	s7 =	simm.s32 $0x0;
	s20 =	sshll.u32 s5, $0x1;
	s5 =	sadd.s32 s21, s3  }
0x9d: {  	[timem:s7], [sflag:s22] =	dma.local [hbm:s5], s20  }
0x9e: {  	_ =	swait.ge [sflag:s22], s20  }
0x9f: {  	s4 =	ssub.s32 $0x0, s20;
	[sflag:s22] =	ssyncset.done $0x0  }
0xa0: {  	[sflag:s22] =	ssyncadd.s32 s4;
	_ =	sdelay $0x1  }
0xa1: {  	s23 =	simm.s32 $0x1B8B  }
0xa2: {  	_ =	swait.ge [sflag:s23], $0x1  }
0xa3: {  	[sflag:s23] =	ssyncset.done $0x0  }
0xa4: {  	s25 =	simm.s32 $0x1B8E;
	s24 =	sld [smem:$0x3FFE];
	[sflag:s23] =	ssyncadd.s32 $0xFFFFFFFF  }
0xa5: {  	s26 =	simm.s32 $execute0_lowered;
	[smem:$0x3FD2] =	sst s25  }
0xa6: {  	s5 =	sshll.u32 s26, $0x1;
	_ =	strace $0x80000046;
	[dreg:$0x1] =	wrdreg $0xFFFFFFFF  }
0xa7: {  	s28 =	simm.s32 $_size_execute0_lowered;
	s3 =	sadd.s32 s3, s5;
	[dreg:$0x0] =	wrdreg $0x0  }
0xa8: {  	s5 =	sshll.u32 s28, $0x1;
	[dreg:$0x2] =	wrdreg s3  }
0xa9: {  	[dreg:$0x3] =	wrdreg s5  }
0xaa: {  	[dreg:$0x4] =	wrdreg $0xC0  }
0xab: {  	_ =	task [dreg:s7], $0x5FFFF  }
0xac: {  	[dreg:$0x1] =	wrdreg $0xFFFFFFFF  }
0xad: {  	[dreg:$0x0] =	wrdreg $0x60  }
0xae: {  	[dreg:$0x2] =	wrdreg s2  }
0xaf: {  	[dreg:$0x3] =	wrdreg s24  }
0xb0: {  	[dreg:$0x4] =	wrdreg $0x800  }
0xb1: {  	[dreg:$0x5] =	wrdreg $0x9  }
0xb2: {  	_ =	task.clear_ibuf [dreg:s7], $0x6FFFF;
	_ =	strace $0x90000046  }
0xb3: {  	s29 =	simm.s32 $0x9;
	_ =	strace $0x80000048  }
0xb4: {  	_ =	swait.ge [sflag:s29], $0x1  }
0xb5: {  	[sflag:s29] =	ssyncadd.s32 $0xFFFFFFFF  }
0xb6: {  	_ =	strace $0x90000048  }
0xb7: {  	_ =	sfence  }
0xb8: {  	s30 =	sld [smem:$0x0];
	_ =	sdelay $0x2  }
0xb9: {  	s31 =	sshll.u32 s1, $0xD;
	s1 =	sshrl.u32 s1, $0x2  }
0xba: {  	s3 =	sand.u32 $0x4000, s31;
	s1 =	sadd.s32 s1, s30  }
0xbb: {  	s0 =	sor.u32 s3, s0;
	s1 =	sshll.u32 s1, $0x11  }
0xbc: {  	s0 =	sor.u32 s1, s0  }
0xbd: {  	s0 =	sadd.s32 $0x8F2B, s0  }
0xbe: {  	[sflag:s0] =	ssyncadd.remote.s32 $0x1  }
0xbf: {  	_ =	sfence.sel $0xFFFF  }
0xc0: {  	[dreg:$0x0] =	wrdreg $0xFFFFFFFF;
	(pc) =	sbr.abs _section_cstart, $3  }
0xc1: {  	[dreg:$0x1] =	wrdreg $0xFFFFFFFF  }
0xc2: {  	_ =	task.clear_ibuf [dreg:s7], $0x2FFFF;
	_ =	strace $0x9FFFFFFF  }
0xc3: {  	(tm) =	ssettm $0x7FFFFFFF  }
tec
execute0_lowered:
.L_overlay_start_1:
0x0: {  	(tag) =	ssettag $0x1  }
0x1: {  	s11 =	rddreg [dreg:$0x0]  }
0x2: {  	s4 =	rddreg [dreg:$0x1]  }
0x3: {  	s0 =	srdreg.scid;
	s12 =	stileid.u32  }
0x4: {  	s1 =	rddreg [dreg:$0x2];
	s2 =	simm.s32 $0x0;
	s17 =	simm.s32 $0x3710  }
0x5: {  	s18 =	simm.s32 $0x2;
	s19 =	simm.s32 $0x3;
	s20 =	simm.s32 $0x0  }
0x6: {  	s8 =	sand.u32 $0x1, s0;
	s0 =	rddreg [dreg:$0x3];
	s14 =	smul.u32 $0xA2800, s12  }
0x7: {  	s3 =	sshll.u32 s12, $0x1;
	[smem:$0x7FF] =	sst s2;
	s15 =	smul.u32 $0xC800, s12  }
0x8: {  	s9 =	sadd.s32 $0xE00, s4;
	p0 =	sne.s32 s12, $0x0;
	s16 =	smul.u32 $0x6400, s8  }
0x9: {  	s5 =	sor.u32 s8, s3;
	_ =	strace $0x80000047;
	s29 =	smul.u32 $0x51400, s8  }
0xa: {  	s3 =	sadd.s32 $0x800, s4;
	s26 =	ssub.s32 $0x2, s8;
	s6 =	smul.u32 $0x6400, s5  }
0xb: {  	s12 =	sshrl.u32 @!p0 s1, $0x3;
	s5 =	smul.u32 $0x51400, s5;
	s13 =	sshrl.u32 s26, $0x1  }
0xc: {  	s13 =	ssub.s32 s26, s13;
	s30 =	sadd.s32 s16, s15;
	s15 =	simm.s32 $0x310  }
0xd: {  	s16 =	simm.s32 $0x1;
	s7 =	sor.u32 $0x80, s6;
	s6 =	sshrl.u32 s6, $0x3  }
0xe: {  	s5 =	sadd.s32 s9, s5;
	s8 =	smax.u32 s13, $0x1;
	s31 =	sor.u32 $0x100, s30  }
0xf: {  	s13 =	sor.u32 $0x180, s30;
	s10 =	smul.u32 $0xD, s7;
	s28 =	sshrl.u32 s7, $0x3  }
0x10: {  	s4 =	sadd.s32 s11, s6;
	s13 =	sshrl.u32 s13, $0x3;
	s6 =	sadd.s32 s11, s28  }
0x11: {  	s7 =	sadd.s32 s9, s10;
	s9 =	sadd.s32 s14, s9;
	s10 =	sshrl.u32 s31, $0x3  }
0x12: {  	s14 =	simm.s32 $0x80;
	s9 =	sadd.s32 s29, s9;
	s10 =	sadd.s32 s10, s11  }
0x13: {  	s11 =	sadd.s32 s13, s11;
	s13 =	simm.s32 $0x4;
	s9 =	sadd.s32 $0xD00, s9  }
.LBB2_1:
0x14: {  	s21 =	simm.s32 @!p0 $0x1C04  }
0x15: {  	[spmem:s12], [sflag:s21] =	dma.local @!p0 [hbm:s3], $0x514  }
0x16: {  	s21 =	simm.s32 @!p0 $0x4  }
0x17: {  	_ =	swait.ge @!p0 [sflag:s21], $0x514  }
0x18: {  	[sflag:s21] =	ssyncset.done @!p0 $0x0  }
0x19: {  	[sflag:s21] =	ssyncadd.s32 @!p0 $0xFFFFFAEC  }
0x1a: {  	[bflag:$0x0] =	sbarrier.arrive $0xFFFF  }
0x1b: {  	[tilespmem:s2], [sflag:$0x4] =	stream.linear.gather [hbm4b:s4+s2], $0x80, $0x38;
	[tilespmem:$0x6B10] =	vst v63  }
0x1c: {  	_ =	swait.ge [sflag:s13], $0x80  }
0x1d: {  	[sflag:s13] =	ssyncset.done $0x0  }
0x1e: {  	[sflag:s13] =	ssyncadd.s32 $0xFFFFFF80  }
0x1f: {  	[tilespmem:s15], [sflag:$0x1] =	stream.indirect.gather [spmem:s1], $0x68, s2, s14, $0xb8;
	[tilespmem:$0x6B10] =	vst v63  }
0x20: {  	_ =	swait.ge [sflag:s16], $0x3400  }
0x21: {  	[sflag:s16] =	ssyncset.done $0x0  }
0x22: {  	[sflag:s16] =	ssyncadd.s32 $0xFFFFCC00  }
0x23: {  	[hbm4b:s5+s2] =	stream.linear.scatter [tilespmem:s15], [sflag:$0x2], $0x3400, $0x38;
	[tilespmem:$0x6B10] =	vst v63  }
0x24: {  	_ = 	snop  }
0x25: {  	[tilespmem:s2], [sflag:$0x4] =	stream.linear.gather [hbm4b:s6+s2], $0x80, $0x38;
	[tilespmem:$0x6B10] =	vst v63  }
0x26: {  	_ =	swait.ge [sflag:s13], $0x80  }
0x27: {  	[sflag:s13] =	ssyncset.done $0x0  }
0x28: {  	[sflag:s13] =	ssyncadd.s32 $0xFFFFFF80  }
0x29: {  	[tilespmem:s17], [sflag:$0x1] =	stream.indirect.gather [spmem:s1], $0x68, s2, s14, $0xb8;
	[tilespmem:$0x6B10] =	vst v63  }
0x2a: {  	_ =	swait.ge [sflag:s16], $0x3400  }
0x2b: {  	[sflag:s16] =	ssyncset.done $0x0  }
0x2c: {  	[sflag:s16] =	ssyncadd.s32 $0xFFFFCC00  }
0x2d: {  	[hbm4b:s7+s2] =	stream.linear.scatter [tilespmem:s17], [sflag:$0x3], $0x3400, $0x38;
	[tilespmem:$0x6B10] =	vst v63  }
0x2e: {  	s30 =	sadd.s32 $0x0, s10  }
0x2f: {  	[tilespmem:s2], [sflag:$0x4] =	stream.linear.gather [hbm4b:s30+s2], $0x80, $0x38;
	[tilespmem:$0x6B10] =	vst v63  }
0x30: {  	_ =	swait.ge [sflag:s13], $0x80  }
0x31: {  	[sflag:s13] =	ssyncset.done $0x0  }
0x32: {  	[sflag:s13] =	ssyncadd.s32 $0xFFFFFF80  }
0x33: {  	_ =	swait.ge [sflag:s18], $0x3400  }
0x34: {  	[sflag:s18] =	ssyncset.done $0x0  }
0x35: {  	[sflag:s18] =	ssyncadd.s32 $0xFFFFCC00  }
0x36: {  	[tilespmem:s15], [sflag:$0x1] =	stream.indirect.gather [spmem:s1], $0x68, s2, s14, $0xb8;
	[tilespmem:$0x6B10] =	vst v63  }
0x37: {  	_ =	swait.ge [sflag:s16], $0x3400  }
0x38: {  	[sflag:s16] =	ssyncset.done $0x0  }
0x39: {  	[sflag:s16] =	ssyncadd.s32 $0xFFFFCC00  }
0x3a: {  	[hbm4b:s9+s2] =	stream.linear.scatter [tilespmem:s15], [sflag:$0x2], $0x3400, $0x38;
	[tilespmem:$0x6B10] =	vst v63  }
0x3b: {  	s31 =	sadd.s32 $0x0, s11  }
0x3c: {  	[tilespmem:s2], [sflag:$0x4] =	stream.linear.gather [hbm4b:s31+s2], $0x80, $0x38;
	[tilespmem:$0x6B10] =	vst v63  }
0x3d: {  	_ =	swait.ge [sflag:s13], $0x80  }
0x3e: {  	[sflag:s13] =	ssyncset.done $0x0  }
0x3f: {  	[sflag:s13] =	ssyncadd.s32 $0xFFFFFF80  }
0x40: {  	_ =	swait.ge [sflag:s19], $0x3400  }
0x41: {  	[sflag:s19] =	ssyncset.done $0x0  }
0x42: {  	[sflag:s19] =	ssyncadd.s32 $0xFFFFCC00  }
0x43: {  	[tilespmem:s17], [sflag:$0x1] =	stream.indirect.gather [spmem:s1], $0x68, s2, s14, $0xb8;
	[tilespmem:$0x6B10] =	vst v63  }
0x44: {  	_ =	swait.ge [sflag:s16], $0x3400  }
0x45: {  	s23 =	sadd.s32 $0x680, s9;
	[sflag:s16] =	ssyncset.done $0x0  }
0x46: {  	s22 =	sadd.s32 $0xD00, s9;
	s21 =	simm.s32 $0x20;
	[sflag:s16] =	ssyncadd.s32 $0xFFFFCC00  }
.LBB2_2:
0x47: {  	[hbm4b:s23+s2] =	stream.linear.scatter [tilespmem:s17], [sflag:$0x3], $0x3400, $0x38;
	[tilespmem:$0x6B10] =	vst v63  }
0x48: {  	s23 =	smov.u32 s21  }
0x49: {  	p1 =	sne.s32 s21, $0xC40;
	s21 =	sadd.s32 $0x20, s21;
	s24 =	sadd.s32 s23, s10  }
0x4a: {  	[tilespmem:s2], [sflag:$0x4] =	stream.linear.gather [hbm4b:s24+s2], $0x80, $0x38;
	[tilespmem:$0x6B10] =	vst v63  }
0x4b: {  	_ =	swait.ge [sflag:s13], $0x80  }
0x4c: {  	[sflag:s13] =	ssyncset.done $0x0  }
0x4d: {  	[sflag:s13] =	ssyncadd.s32 $0xFFFFFF80  }
0x4e: {  	_ =	swait.ge [sflag:s18], $0x3400  }
0x4f: {  	[sflag:s18] =	ssyncset.done $0x0  }
0x50: {  	[sflag:s18] =	ssyncadd.s32 $0xFFFFCC00  }
0x51: {  	[tilespmem:s15], [sflag:$0x1] =	stream.indirect.gather [spmem:s1], $0x68, s2, s14, $0xb8;
	[tilespmem:$0x6B10] =	vst v63  }
0x52: {  	_ =	swait.ge [sflag:s16], $0x3400  }
0x53: {  	[sflag:s16] =	ssyncset.done $0x0  }
0x54: {  	[sflag:s16] =	ssyncadd.s32 $0xFFFFCC00  }
0x55: {  	[hbm4b:s22+s2] =	stream.linear.scatter [tilespmem:s15], [sflag:$0x2], $0x3400, $0x38;
	[tilespmem:$0x6B10] =	vst v63  }
0x56: {  	s23 =	sadd.s32 s23, s11  }
0x57: {  	[tilespmem:s2], [sflag:$0x4] =	stream.linear.gather [hbm4b:s23+s2], $0x80, $0x38;
	[tilespmem:$0x6B10] =	vst v63  }
0x58: {  	_ =	swait.ge [sflag:s13], $0x80  }
0x59: {  	[sflag:s13] =	ssyncset.done $0x0  }
0x5a: {  	[sflag:s13] =	ssyncadd.s32 $0xFFFFFF80  }
0x5b: {  	_ =	swait.ge [sflag:s19], $0x3400  }
0x5c: {  	[sflag:s19] =	ssyncset.done $0x0  }
.Ltmp0:
0x5d: {  	[sflag:s19] =	ssyncadd.s32 $0xFFFFCC00;
	(pc) =	sbr.rel @p1 .LBB2_2-.Ltmp0, $4  }
0x5e: {  	[tilespmem:s17], [sflag:$0x1] =	stream.indirect.gather [spmem:s1], $0x68, s2, s14, $0xb8;
	[tilespmem:$0x6B10] =	vst v63  }
0x5f: {  	_ =	swait.ge [sflag:s16], $0x3400  }
0x60: {  	[sflag:s16] =	ssyncset.done $0x0  }
0x61: {  	s23 =	sadd.s32 $0x680, s22;
	s22 =	sadd.s32 $0xD00, s22;
	[sflag:s16] =	ssyncadd.s32 $0xFFFFCC00  }
0x62: {  	[hbm4b:s23+s2] =	stream.linear.scatter [tilespmem:s17], [sflag:$0x3], $0x3400, $0x38;
	[tilespmem:$0x6B10] =	vst v63  }
0x63: {  	s20 =	sadd.s32 $0x1, s20  }
0x64: {  	_ =	swait.ge [sflag:s18], $0x3400;
	p1 =	sne.s32 s20, s8  }
.Ltmp1:
0x65: {  	[sflag:s18] =	ssyncset.done $0x0;
	(pc) =	sbr.rel @p1 .LBB2_1-.Ltmp1, $4  }
0x66: {  	[sflag:s18] =	ssyncadd.s32 $0xFFFFCC00  }
0x67: {  	_ =	swait.ge [sflag:s19], $0x3400  }
0x68: {  	[sflag:s19] =	ssyncset.done $0x0  }
0x69: {  	[sflag:s19] =	ssyncadd.s32 $0xFFFFCC00  }
0x6a: {  	_ =	sfence.sel $0x180000  }
0x6b: {  	[bflag:$0x0] =	sbarrier.arrive $0xFFFF  }
0x6c: {  	_ =	strace $0x90000047  }
0x6d: {  	s0 =	sadd.s32 @!p0 $0x100000, s0;
	[bflag:$0x2] =	sbarrier.arrive $0xFFFF  }
0x6e: {  	[sflag:s0] =	ssyncadd.tile.s32 @!p0 $0x1;
	_ =	shalt  }
.Lfunc_end2:
_tile_overlayer_lowered:
.L_overlay_start_2:
0x6f: {  	(tag) =	ssettag $0x2  }
0x70: {  	s0 =	rddreg [dreg:$0x0];
	s2 =	stileid.u32  }
0x71: {  	s1 =	rddreg [dreg:$0x1];
	p0 =	sne.s32 s2, $0x0  }
0x72: {  	s3 =	rddreg [dreg:$0x2];
	[bflag:$0x3] =	sbarrier.arrive $0xFFFF;
	s2 =	simm.s32 @!p0 $0x1C04  }
0x73: {  	[timem:s3], [sflag:s2] =	dma.local @!p0 [hbm:s0], s1  }
0x74: {  	s0 =	simm.s32 @!p0 $0x4  }
0x75: {  	_ =	swait.ge @!p0 [sflag:s0], s1  }
0x76: {  	s1 =	ssub.s32 @!p0 $0x0, s1;
	[sflag:s0] =	ssyncset.done @!p0 $0x0  }
0x77: {  	[sflag:s0] =	ssyncadd.s32 @!p0 s1  }
0x78: {  	[bflag:$0x3] =	sbarrier.arrive $0xFFFF  }
0x79: {  	_ =	shalt  }

// kernel: sparse-core-data-format-call.cloned.1.call-start
scs
called_computation_lowered:
.L_overlay_start_0:
0x0: {  	s2 =	sld [smem:$0x3FD9]  }
0x1: {  	s3 =	sld [smem:$0x3FFE];
	_ =	sdelay $0x1  }
0x2: {  	s1 =	srdreg.scid  }
0x3: {  	s0 =	sand.u32 $0x1, s1  }
0x4: {  	s18 =	sshll.u32 s0, $0xA;
	s2 =	sadd.s32 s3, s2  }
0x5: {  	s2 =	sadd.s32 s2, s18  }
0x6: {  	[smem:$0x3FC6] =	sst s2  }
0x7: {  	_ = 	snop  }
0x8: {  	s2 =	sld [smem:$0x3FD0];
	(tm) =	ssettm $0x1  }
0x9: {  	s19 =	sld [smem:$0x3FFB];
	_ =	sdelay $0x3  }
0xa: {  	_ =	strace s19  }
0xb: {  	s3 =	sld [smem:$0x3FFC];
	_ =	sdelay $0x3  }
0xc: {  	_ =	strace s3  }
0xd: {  	s3 =	sld [smem:$0x3FFD];
	_ =	sdelay $0x3  }
0xe: {  	_ =	strace s3  }
0xf: {  	_ =	strace $0x8FFFFFFF  }
0x10: {  	s20 =	sld [smem:$0x3FDB];
	_ =	sdelay $0x1  }
0x11: {  	s4 =	simm.s32 $_scs_section_size  }
0x12: {  	s5 =	simm.s32 $_size__tile_overlayer_lowered;
	s6 =	simm.s32 $_tile_overlayer_lowered  }
0x13: {  	s23 =	simm.s32 $0x1BFF;
	s22 =	sshll.u32 s6, $0x1;
	s3 =	sadd.s32 s4, s20  }
0x14: {  	s7 =	simm.s32 $0x0;
	s21 =	sshll.u32 s5, $0x1;
	s5 =	sadd.s32 s22, s3  }
0x15: {  	[timem:s7], [sflag:s23] =	dma.local [hbm:s5], s21  }
0x16: {  	_ =	swait.ge [sflag:s23], s21  }
0x17: {  	s4 =	ssub.s32 $0x0, s21;
	[sflag:s23] =	ssyncset.done $0x0  }
0x18: {  	[sflag:s23] =	ssyncadd.s32 s4;
	_ =	sdelay $0x1  }
0x19: {  	s24 =	simm.s32 $0x1B8B  }
0x1a: {  	_ =	swait.ge [sflag:s24], $0x1  }
0x1b: {  	[sflag:s24] =	ssyncset.done $0x0  }
0x1c: {  	s26 =	simm.s32 $0x1B8E;
	s25 =	sld [smem:$0x3FFE];
	[sflag:s24] =	ssyncadd.s32 $0xFFFFFFFF  }
0x1d: {  	s27 =	simm.s32 $execute0_lowered;
	[smem:$0x3FD2] =	sst s26  }
0x1e: {  	s5 =	sshll.u32 s27, $0x1;
	_ =	strace $0x80000049;
	[dreg:$0x1] =	wrdreg $0xFFFFFFFF  }
0x1f: {  	s28 =	simm.s32 $_size_execute0_lowered;
	s3 =	sadd.s32 s3, s5;
	[dreg:$0x0] =	wrdreg $0x0  }
0x20: {  	s5 =	sshll.u32 s28, $0x1;
	[dreg:$0x2] =	wrdreg s3  }
0x21: {  	[dreg:$0x3] =	wrdreg s5  }
0x22: {  	[dreg:$0x4] =	wrdreg $0xC0  }
0x23: {  	_ =	task [dreg:s7], $0x5FFFF  }
0x24: {  	[dreg:$0x1] =	wrdreg $0xFFFFFFFF  }
0x25: {  	[dreg:$0x0] =	wrdreg $0x60  }
0x26: {  	[dreg:$0x2] =	wrdreg s25  }
0x27: {  	[dreg:$0x3] =	wrdreg s2  }
0x28: {  	[dreg:$0x4] =	wrdreg $0x9  }
0x29: {  	_ =	task.clear_ibuf [dreg:s7], $0x5FFFF;
	_ =	strace $0x90000049  }
0x2a: {  	s29 =	simm.s32 $0x9;
	_ =	strace $0x8000004B  }
0x2b: {  	_ =	swait.ge [sflag:s29], $0x1  }
0x2c: {  	[sflag:s29] =	ssyncadd.s32 $0xFFFFFFFF  }
0x2d: {  	_ =	strace $0x9000004B  }
0x2e: {  	_ =	sfence  }
0x2f: {  	s30 =	sld [smem:$0x0];
	_ =	sdelay $0x2  }
0x30: {  	s31 =	sshll.u32 s1, $0xD;
	s1 =	sshrl.u32 s1, $0x2  }
0x31: {  	s3 =	sand.u32 $0x4000, s31;
	s1 =	sadd.s32 s1, s30  }
0x32: {  	s0 =	sor.u32 s3, s0;
	s1 =	sshll.u32 s1, $0x11  }
0x33: {  	s0 =	sor.u32 s1, s0  }
0x34: {  	s0 =	sadd.s32 $0x8F2B, s0  }
0x35: {  	[sflag:s0] =	ssyncadd.remote.s32 $0x1  }
0x36: {  	_ =	sfence.sel $0xFFFF  }
0x37: {  	[dreg:$0x0] =	wrdreg $0xFFFFFFFF;
	(pc) =	sbr.abs _section_cstart, $3  }
0x38: {  	[dreg:$0x1] =	wrdreg $0xFFFFFFFF  }
0x39: {  	_ =	task.clear_ibuf [dreg:s7], $0x2FFFF;
	_ =	strace $0x9FFFFFFF  }
0x3a: {  	(tm) =	ssettm $0x7FFFFFFF  }
0x3b: {  	_ =	shalt  }
tec
execute0_lowered:
.L_overlay_start_1:
0x0: {  	(tag) =	ssettag $0x1  }
0x1: {  	s0 =	srdreg.scid  }
0x2: {  	s1 =	sshll.u32 s0, $0x4  }
0x3: {  	s6 =	rddreg [dreg:$0x0];
	s0 =	stileid.u32;
	s1 =	sand.u32 $0x10, s1  }
0x4: {  	s3 =	rddreg [dreg:$0x1];
	s1 =	sor.u32 s0, s1  }
0x5: {  	s5 =	simm.s32 $0x1;
	s31 =	simm.s32 $0x2;
	s2 =	sshll.u32 s1, $0x7  }
0x6: {  	s15 =	simm.s32 $0x0;
	s8 =	simm.s32 $0xC8000;
	s4 =	ssub.s32 $0x1000, s2  }
0x7: {  	s14 =	simm.s32 $0x0;
	s9 =	simm.s32 $0x0;
	s30 =	sand.u32 $0xF80, s4  }
0x8: {  	s10 =	simm.s32 $0x0;
	s11 =	simm.s32 $0x0;
	p0 =	sne.s32 s30, $0x0  }
.Ltmp0:
0x9: {  	s7 =	sshrl.u32 s4, $0xC;
	s5 =	simm.s32 @!p0 $0x0;
	(pc) =	sbr.rel .LBB1_1-.Ltmp0, $4  }
0xa: {  	s13 =	simm.s32 $0x0;
	s1 =	rddreg [dreg:$0x2];
	s5 =	sadd.s32 s5, s7  }
0xb: {  	_ =	strace $0x8000004A;
	s4 =	simm.s32 $0x1;
	s5 =	smul.u32 $0xC8, s5  }
0xc: {  	s6 =	sadd.s32 $0xA28E00, s6;
	s12 =	smov.u32 s2;
	[sflag:s4] =	ssyncpa.u1 $0x0  }
0xd: {  	[sflag:s31] =	ssyncpa.u1 $0x0;
	p0 =	por $0x0, $0x0;
	s7 =	sor.u32 $0x1, s5  }
.LBB1_4:
0xe: {  	s20 =	sshra.s32 s20, $0x2;
	s27 =	sshll.u32 s9, $0xC  }
0xf: {  	s21 =	sand.u32 $0x78, s10;
	s22 =	sshll.u32 s10, $0x3;
	s24 =	sshll.u32 s9, $0x7  }
0x10: {  	p1 =	sgt.s32 s9, $0xC7;
	s30 =	sshra.s32 s9, $0x1F;
	s25 =	sshra.s32 s10, $0x1F  }
0x11: {  	s19 =	sadd.s32 s20, s19;
	s20 =	sand.u32 $0xFFFF8000, s27;
	s23 =	sand.u32 $0xFFFFFC00, s22  }
0x12: {  	v5 =	vld [tilespmem:s17+$0xFFFFFFD0];
	[tilespmem:s18+$0x2040 ss:$0x81] =	vst.msk $0xffff, v4;
	s22 =	sand.u32 $0xC00, s22;
	s28 =	sand.u32 $0x380, s24;
	s31 =	sand.u32 s30, s9  }
0x13: {  	v58 =	vld [tilespmem:s17+$0xFFFFFFE0];
	[tilespmem:s18+$0x2850 ss:$0x81] =	vst.msk $0xffff, v3;
	s24 =	smov.u32 s10;
	s25 =	sand.u32 s25, s10;
	s20 =	sadd.s32 s23, s20  }
0x14: {  	v59 =	vld [tilespmem:s17+$0xFFFFFFF0];
	[tilespmem:s18+$0x3060 ss:$0x81] =	vst.msk $0xffff, v2;
	s21 =	sor.u32 s21, s22;
	s22 =	smov.u32 s9;
	s20 =	sshrl.u32 s20, $0xC  }
0x15: {  	v60 =	vld [tilespmem:s17+$0x0];
	[tilespmem:s18+$0x0 ss:$0x81] =	vst.msk $0xffff, v1;
	s22 =	simm.s32 @!p1 $0xC7;
	p1 =	sgt.s32 s10, $0xF80;
	s29 =	smulhi.u32 $0x147AE15, s20  }
0x16: {  	v61 =	vld [tilespmem:s17+$0x10];
	[tilespmem:s19+$0x3870 ss:$0x81] =	vst.msk $0xffff, v0;
	s21 =	sor.u32 s28, s21;
	s18 =	ssub.s32 s22, s31;
	s24 =	simm.s32 @!p1 $0xF80  }
0x17: {  	v62 =	vld [tilespmem:s17+$0x20];
	[tilespmem:s19+$0x810 ss:$0x81] =	vst.msk $0xffff, v5;
	s22 =	ssub.s32 s24, s25;
	s26 =	ssub.s32 $0xC8, s18;
	s23 =	smul.u32 $0xC8, s29  }
0x18: {  	v63 =	vld [tilespmem:s17+$0xFFFFFFC0];
	[tilespmem:s19+$0x1020 ss:$0x81] =	vst.msk $0xffff, v58;
	s27 =	sadd.s32 $0xFFFFFF39, s18;
	s18 =	smul.u32 $0x64, s26;
	s28 =	sadd.s32 $0xFFFFF080, s22  }
0x19: {  	[tilespmem:s19+$0x1830 ss:$0x81] =	vst.msk $0xffff, v59;
	p1 =	sgt.s32 s27, $0x0;
	s17 =	ssub.s32 $0x1000, s22;
	p2 =	sgt.s32 s28, $0x7F  }
0x1a: {  	s30 =	sand.u32 $0x7, s10;
	[tilespmem:s19+$0x2040 ss:$0x81] =	vst.msk $0xffff, v60;
	s18 =	simm.s32 @p1 $0x0;
	s17 =	simm.s32 @p2 $0x0  }
0x1b: {  	[tilespmem:s19+$0x2850 ss:$0x81] =	vst.msk $0xffff, v61;
	s29 =	sshrl.u32 s21, $0x3;
	s20 =	ssub.s32 s20, s23;
	s17 =	smul.u32 s17, s18  }
0x1c: {  	[tilespmem:s19+$0x3060 ss:$0x81] =	vst.msk $0xffff, v62;
	s21 =	sshll.u32 s30, $0x12;
	s20 =	sshll.u32 s20, $0x9;
	s18 =	sadd.s32 s3, s29  }
0x1d: {  	[tilespmem:s19+$0x0 ss:$0x81] =	vst.msk $0xffff, v63;
	s31 =	sor.u32 $0x80, s21;
	s18 =	sadd.s32 s20, s18;
	s17 =	sand.u32 $0x3FFFFFFC, s17  }
0x1e: {  	[hbm4b:s18+s31] =	stream.strided.scatter [tilespmem:s16], [sflag:$0x2], s17, s8, s31, $0x20;
	[tilespmem:$0x10100] =	vst v63  }
.LBB1_5:
0x1f: {  	p1 =	slt.u32 s13, $0x2  }
0x20: {  	s17 =	smov.u32 s15;
	p2 =	sgt.s32 @!p1 s15, $0xC7;
	s16 =	sshra.s32 @!p1 s15, $0x1F  }
0x21: {  	p3 =	sgt.s32 @!p1 s14, $0xF80;
	s18 =	sshra.s32 @!p1 s14, $0x1F;
	p2 =	por !p2, p1  }
0x22: {  	s15 =	sand.u32 @!p1 s16, s15;
	p3 =	por !p3, p1;
	s16 =	smov.u32 s14  }
0x23: {  	s14 =	sand.u32 @!p1 s18, s14;
	s17 =	simm.s32 @p2 $0xC7;
	s16 =	simm.s32 @p3 $0xF80  }
0x24: {  	s18 =	smov.u32 s12;
	s15 =	ssub.s32 @!p1 s17, s15;
	s14 =	ssub.s32 @!p1 s16, s14  }
0x25: {  	s16 =	sadd.s32 @!p1 $0xFFFFFF39, s15;
	s15 =	ssub.s32 @!p1 $0xC8, s15;
	s17 =	sadd.s32 @!p1 $0xFFFFF080, s14  }
0x26: {  	p2 =	sgt.s32 @!p1 s16, $0x0;
	s15 =	smul.u32 @!p1 $0x64, s15;
	p3 =	sgt.s32 @!p1 s17, $0x7F  }
0x27: {  	s14 =	ssub.s32 @!p1 $0x1000, s14;
	p2 =	por !p2, p1;
	p3 =	por !p3, p1  }
0x28: {  	s16 =	sadd.s32 $0x1, s11;
	s15 =	simm.s32 @!p2 $0x0;
	s14 =	simm.s32 @!p3 $0x0  }
0x29: {  	p2 =	sgt.s32 s16, $0xC7;
	s14 =	smul.u32 @!p1 s14, s15;
	s15 =	sadd.s32 $0x1000, s12  }
0x2a: {  	s18 =	smov.u32 @p2 s15  }
0x2b: {  	s16 =	simm.s32 @p2 $0x0;
	p2 =	sgt.s32 s18, $0xFFF  }
0x2c: {  	s18 =	smov.u32 @p2 s2;
	p2 =	sne.s32 s13, s7  }
.Ltmp1:
0x2d: {  	p0 =	por !p0, !p0;
	s17 =	simm.s32 @!p1 $0x2;
	(pc) =	sbr.rel @!p2 .LBB1_6-.Ltmp1, $4  }
0x2e: {  	s15 =	smov.u32 s9;
	s9 =	smov.u32 s11;
	s14 =	sand.u32 @!p1 $0x3FFFFFFC, s14  }
0x2f: {  	s11 =	smov.u32 s16;
	_ =	swait.ge @!p1 [sflag:s17], s14;
	s19 =	ssub.s32 @!p1 $0x0, s14  }
0x30: {  	s14 =	smov.u32 s10;
	s13 =	sadd.s32 $0x1, s13;
	[sflag:s17] =	ssyncset.done @!p1 $0x0  }
0x31: {  	s10 =	smov.u32 s12;
	s12 =	smov.u32 s18;
	[sflag:s17] =	ssyncadd.s32 @!p1 s19  }
.LBB1_1:
0x32: {  	p1 =	sge.u32 s13, s5  }
0x33: {  	s16 =	sand.u32 @!p1 $0x1FFFFFF, s11  }
0x34: {  	s17 =	smulhi.u32 @!p1 $0x147AE15, s16;
	_ =	sdelay $0x1  }
0x35: {  	s17 =	smul.u32 @!p1 $0xC8, s17  }
0x36: {  	s18 =	sxor.u32 @!p1 $0xFFFFFFFF, s13;
	s19 =	smul.u32 @!p1 $0xC80, s12  }
0x37: {  	s31 =	sadd.s32 $0xFFFFFFFF, s13;
	s18 =	sshll.u32 @!p1 s18, $0xE;
	s16 =	ssub.s32 @!p1 s16, s17  }
0x38: {  	s17 =	sand.u32 @!p1 $0x4000, s18;
	s18 =	sadd.s32 @!p1 s6, s19;
	s16 =	sshll.u32 @!p1 s16, $0x4  }
0x39: {  	s19 =	simm.s32 @!p1 $0x6400;
	s16 =	sadd.s32 @!p1 s16, s18;
	s18 =	simm.s32 @!p1 $0x80  }
0x3a: {  	[tilespmem:s17], [sflag:$0x1] =	stream.strided.gather @!p1 [hbm4b:s16+s18], $0x4000, s19, s18, $0x38;
	[tilespmem:$0x10100] =	vst v63  }
0x3b: {  	p1 =	sge.u32 s31, s5  }
.Ltmp2:
0x3c: {  	_ = 	snop;
	(pc) =	sbr.rel @p1 .LBB1_5-.Ltmp2, $1  }
0x3d: {  	_ =	sdelay $0x3  }
0x3e: {  	s16 =	simm.s32 $0x1  }
0x3f: {  	_ =	swait.ge [sflag:s4], $0x4000;
	s16 =	simm.s32 @!p0 $0x0  }
0x40: {  	[sflag:s4] =	ssyncset.done $0x0;
	s17 =	sshll.u32 s16, $0xE  }
0x41: {  	[sflag:s4] =	ssyncadd.s32 $0xFFFFC000;
	s17 =	sor.u32 $0x40, s17  }
0x42: {  	s16 =	smul.u32 $0x10200, s16;
	v0 =	vld [tilespmem:s17+$0x30]  }
0x43: {  	v1 =	vld [tilespmem:s17+$0xFFFFFFD0]  }
0x44: {  	s16 =	sshrl.u32 s16, $0x2;
	v5 =	vld [tilespmem:s17+$0xFFFFFFE0]  }
0x45: {  	v6 =	vld [tilespmem:s17+$0xFFFFFFF0];
	s19 =	sor.u32 $0x8000, s16  }
0x46: {  	s31 =	sand.u32 $0x1, s13;
	v4 =	vld [tilespmem:s17+$0x0];
	s18 =	sadd.s32 $0x0, s19  }
0x47: {  	v3 =	vld [tilespmem:s17+$0x10];
	s16 =	smul.u32 $0x10200, s31;
	[tilespmem:s18+$0x3870 ss:$0x81] =	vst.msk $0xffff, v0  }
0x48: {  	v2 =	vld [tilespmem:s17+$0x20];
	[tilespmem:s18+$0x810 ss:$0x81] =	vst.msk $0xffff, v1  }
0x49: {  	s16 =	sshrl.u32 s16, $0x2;
	v1 =	vld [tilespmem:s17+$0xFFFFFFC0];
	[tilespmem:s18+$0x1020 ss:$0x81] =	vst.msk $0xffff, v5;
	s17 =	sadd.s32 $0x80, s17  }
0x4a: {  	s20 =	simm.s32 $0x4;
	s21 =	simm.s32 $0x8;
	s16 =	sor.u32 $0x8000, s16;
	[tilespmem:s18+$0x1830 ss:$0x81] =	vst.msk $0xffff, v6;
	v0 =	vld [tilespmem:s17+$0x30]  }
.LBB1_3:
0x4b: {  	p1 =	sne.s32 s21, $0x1FC;
	v5 =	vld [tilespmem:s17+$0xFFFFFFD0];
	[tilespmem:s18+$0x2040 ss:$0x81] =	vst.msk $0xffff, v4  }
0x4c: {  	v6 =	vld [tilespmem:s17+$0xFFFFFFE0];
	[tilespmem:s18+$0x2850 ss:$0x81] =	vst.msk $0xffff, v3  }
0x4d: {  	s22 =	sshra.s32 s20, $0x2;
	s20 =	smov.u32 s21;
	v7 =	vld [tilespmem:s17+$0xFFFFFFF0];
	[tilespmem:s18+$0x3060 ss:$0x81] =	vst.msk $0xffff, v2  }
.Ltmp3:
0x4e: {  	v4 =	vld [tilespmem:s17+$0x0];
	[tilespmem:s18+$0x0 ss:$0x81] =	vst.msk $0xffff, v1;
	s18 =	sadd.s32 s22, s19;
	(pc) =	sbr.rel @p1 .LBB1_3-.Ltmp3, $4  }
0x4f: {  	v3 =	vld [tilespmem:s17+$0x10];
	[tilespmem:s18+$0x3870 ss:$0x81] =	vst.msk $0xffff, v0  }
0x50: {  	[tilespmem:s18+$0x810 ss:$0x81] =	vst.msk $0xffff, v5;
	v2 =	vld [tilespmem:s17+$0x20]  }
0x51: {  	v1 =	vld [tilespmem:s17+$0xFFFFFFC0];
	[tilespmem:s18+$0x1020 ss:$0x81] =	vst.msk $0xffff, v6;
	s17 =	sadd.s32 $0x80, s17  }
0x52: {  	s21 =	sadd.s32 $0x4, s21;
	v0 =	vld [tilespmem:s17+$0x30];
	[tilespmem:s18+$0x1830 ss:$0x81] =	vst.msk $0xffff, v7  }
.Ltmp4:
0x53: {  	_ = 	snop;
	(pc) =	sbr.rel .LBB1_4-.Ltmp4, $1  }
0x54: {  	_ =	sdelay $0x3  }
.LBB1_6:
0x55: {  	_ =	sfence.sel $0x180000  }
0x56: {  	s2 =	simm.s32 $0x1;
	[bflag:$0x0] =	sbarrier.arrive $0xFFFF  }
0x57: {  	s31 =	simm.s32 $0x2;
	[sflag:s2] =	ssyncpa.u1 $0x1  }
0x58: {  	[sflag:s31] =	ssyncpa.u1 $0x1  }
0x59: {  	p0 =	sne.s32 s0, $0x0;
	_ =	strace $0x9000004A  }
0x5a: {  	s0 =	sadd.s32 @!p0 $0x100000, s1;
	[bflag:$0x2] =	sbarrier.arrive $0xFFFF  }
0x5b: {  	[sflag:s0] =	ssyncadd.tile.s32 @!p0 $0x1;
	_ =	shalt  }
.Lfunc_end1:
_tile_overlayer_lowered:
.L_overlay_start_2:
0x5c: {  	(tag) =	ssettag $0x2  }
0x5d: {  	s0 =	rddreg [dreg:$0x0];
	s2 =	stileid.u32  }
0x5e: {  	s1 =	rddreg [dreg:$0x1];
	p0 =	sne.s32 s2, $0x0  }
0x5f: {  	s3 =	rddreg [dreg:$0x2];
	[bflag:$0x3] =	sbarrier.arrive $0xFFFF;
	s2 =	simm.s32 @!p0 $0x1C01  }
0x60: {  	[timem:s3], [sflag:s2] =	dma.local @!p0 [hbm:s0], s1  }
0x61: {  	s0 =	simm.s32 @!p0 $0x1  }
0x62: {  	_ =	swait.ge @!p0 [sflag:s0], s1  }
0x63: {  	s1 =	ssub.s32 @!p0 $0x0, s1;
	[sflag:s0] =	ssyncset.done @!p0 $0x0  }
0x64: {  	[sflag:s0] =	ssyncadd.s32 @!p0 s1  }
0x65: {  	[bflag:$0x3] =	sbarrier.arrive $0xFFFF  }
0x66: {  	_ =	shalt  }

</sc_bundles>
